<compile_context>
chip_gen: v7x
topology: tpu7x:2x2x1
jax: 0.10.2.dev20260603
libtpu: 0.0.44.dev20260713+nightly
codegen_flags: <defaults>
</compile_context>

<pallas_src>
import functools

import jax
import jax.numpy as jnp
from jax import lax
from jax.experimental import pallas as pl
from jax.experimental.pallas import tpu as pltpu
from jax.experimental.pallas import tpu_sc as plsc

_B, _N, _DIN, _E = 16, 1024, 2, 128
_K = 10
_R = 1024
_L = 16
_NW = 32
_TOT = _B * _N * _K
_BPW = _TOT // _NW
_CH = 128
_NCH = _BPW // _CH


def _select_body(xr_ref, xt_ref, out_ref):
    b = pl.program_id(0)
    xr = xr_ref[0]
    xt = xt_ref[0]

    x0c = xt[0:1, :]
    x1c = xt[1:2, :]
    sq_c = x0c * x0c + x1c * x1c
    x0r = xr[:, 0:1]
    x1r = xr[:, 1:2]
    sq_r = x0r * x0r + x1r * x1r
    dot = jax.lax.dot(xr, xt, preferred_element_type=jnp.float32)
    d2 = (sq_r + sq_c) - 2.0 * dot
    vals = jnp.maximum(d2, 1e-12)

    iotaf = jax.lax.broadcasted_iota(jnp.int32, (_R, _N), 1).astype(jnp.float32)
    sels = []
    for m in range(_K):
        vmin = jnp.min(vals, axis=1, keepdims=True)
        tie = vals == vmin
        sel = jnp.max(jnp.where(tie, iotaf, -1.0), axis=1, keepdims=True)
        sels.append(sel)
        if m < _K - 1:
            onehot = iotaf == sel
            vals = jnp.where(onehot, jnp.float32(jnp.inf), vals)
    selcat = jnp.concatenate(sels, axis=1)
    out_ref[0] = selcat.astype(jnp.int32) + b * _N


def _sc_gather(table, idx):
    mesh = plsc.VectorSubcoreMesh(core_axis_name="c", subcore_axis_name="s")

    @functools.partial(
        pl.kernel, mesh=mesh,
        compiler_params=pltpu.CompilerParams(use_tc_tiling_on_sc=False),
        out_type=jax.ShapeDtypeStruct((_TOT, _L), jnp.float32),
        scratch_types=[
            pltpu.VMEM((_BPW,), jnp.int32),
            pltpu.VMEM((_BPW, _L), jnp.float32),
            pltpu.SemaphoreType.DMA,
        ],
    )
    def k(table_hbm, idx_hbm, out_hbm, idx_v, rows_v, sem):
        wid = lax.axis_index("s") * 2 + lax.axis_index("c")
        base = wid * _BPW
        pltpu.sync_copy(idx_hbm.at[pl.ds(base, _BPW)], idx_v)

        def fire(i, _):
            off = i * _CH
            pltpu.async_copy(
                table_hbm.at[idx_v.at[pl.ds(off, _CH)]],
                rows_v.at[pl.ds(off, _CH)], sem)
            return 0

        def drain(i, _):
            off = i * _CH
            pltpu.make_async_copy(
                table_hbm.at[idx_v.at[pl.ds(off, _CH)]],
                rows_v.at[pl.ds(off, _CH)], sem).wait()
            return 0

        lax.fori_loop(0, _NCH, fire, 0)
        lax.fori_loop(0, _NCH, drain, 0)
        pltpu.sync_copy(rows_v, out_hbm.at[pl.ds(base, _BPW)])

    return k(table, idx)


def _dense_body(xr_ref, win_ref, w1_ref, wcvp_ref, w2_ref, b1p_ref, bcv_ref,
                out_ref):
    wfold = jax.lax.dot(wcvp_ref[...], w2_ref[...])
    bias = b1p_ref[...] + jax.lax.dot(bcv_ref[...], w2_ref[...])
    out_ref[...] = (jax.lax.dot(xr_ref[...], w1_ref[...])
                    + jax.lax.dot(win_ref[...], wfold) + bias)


def kernel(x, W1, b1, Wconv, bconv, W2, b2):
    xt = jnp.transpose(x, (0, 2, 1))

    idx = pl.pallas_call(
        _select_body,
        grid=(_B, _N // _R),
        in_specs=[
            pl.BlockSpec((1, _R, _DIN), lambda b, r: (b, r, 0)),
            pl.BlockSpec((1, _DIN, _N), lambda b, r: (b, 0, 0)),
        ],
        out_specs=pl.BlockSpec((1, _R, _K), lambda b, r: (b, r, 0)),
        out_shape=jax.ShapeDtypeStruct((_B, _N, _K), jnp.int32),
    )(x, xt)

    table = jnp.pad(x.reshape(_B * _N, _DIN), ((0, 0), (0, _L - _DIN)))
    win = _sc_gather(table, idx.reshape(_TOT))
    win = win.reshape(_B * _N, _K * _L)

    wcvp = jnp.pad(jnp.transpose(Wconv, (2, 1, 0))[::-1],
                   ((0, 0), (0, _L - _DIN), (0, 0))).reshape(_K * _L, _E)
    b1p = (b1 + b2).reshape(1, _E)
    bcv = bconv.reshape(1, _E)

    _RT = 2048
    out = pl.pallas_call(
        _dense_body,
        grid=(_B * _N // _RT,),
        in_specs=[
            pl.BlockSpec((_RT, _DIN), lambda r: (r, 0)),
            pl.BlockSpec((_RT, _K * _L), lambda r: (r, 0)),
            pl.BlockSpec((_DIN, _E), lambda r: (0, 0)),
            pl.BlockSpec((_K * _L, _E), lambda r: (0, 0)),
            pl.BlockSpec((_E, _E), lambda r: (0, 0)),
            pl.BlockSpec((1, _E), lambda r: (0, 0)),
            pl.BlockSpec((1, _E), lambda r: (0, 0)),
        ],
        out_specs=pl.BlockSpec((_RT, _E), lambda r: (r, 0)),
        out_shape=jax.ShapeDtypeStruct((_B * _N, _E), jnp.float32),
    )(x.reshape(_B * _N, _DIN), win, W1, wcvp, W2, b1p, bcv)
    return out.reshape(_B, _N, _E)

# --- scband reference (transcript-rebuilt; emitter-appended) ---
"""Pipeline reference for scband-conv-embedding-850403525141 (READ-ONLY COPY).

The authoritative reference and input builder live on the scoring server;
editing this copy changes nothing except your own understanding.
"""

import jax, jax.numpy as jnp
import numpy as np

B, N, D_IN = 16, 1024, 2
DIM_EMB = 128
NB_NEIGHBORS = 9
KERNEL_SIZE = 10  # = NB_NEIGHBORS + 1


def setup_inputs(seed: int = 0) -> dict:
    key = jax.random.key(seed)
    ks = jax.random.split(key, 7)
    x = jax.random.uniform(ks[0], (B, N, D_IN), dtype=jnp.float32)
    # W1: Linear(dim_input_nodes -> dim_emb)
    W1 = jax.random.normal(ks[1], (D_IN, DIM_EMB), dtype=jnp.float32) * (1.0 / np.sqrt(D_IN))
    b1 = jnp.zeros((DIM_EMB,), dtype=jnp.float32)
    # Conv1d(in_channels=2, out_channels=dim_emb, kernel_size=10) weight: (out, in, k)
    Wconv = jax.random.normal(ks[2], (DIM_EMB, D_IN, KERNEL_SIZE), dtype=jnp.float32) * (1.0 / np.sqrt(D_IN * KERNEL_SIZE))
    bconv = jnp.zeros((DIM_EMB,), dtype=jnp.float32)
    # W2: Linear(dim_emb -> dim_emb)
    W2 = jax.random.normal(ks[3], (DIM_EMB, DIM_EMB), dtype=jnp.float32) * (1.0 / np.sqrt(DIM_EMB))
    b2 = jnp.zeros((DIM_EMB,), dtype=jnp.float32)
    return {"x": x, "W1": W1, "b1": b1, "Wconv": Wconv, "bconv": bconv, "W2": W2, "b2": b2}


def reference(x, W1, b1, Wconv, bconv, W2, b2):
    bsz, seq_len, _ = x.shape
    # node_embedding = self.W1(x)
    node_embedding = x @ W1 + b1
    # dist_matrix = torch.cdist(x, x)  (euclidean)
    sq = jnp.sum(x * x, axis=-1)
    dist2 = sq[:, :, None] + sq[:, None, :] - 2.0 * jnp.einsum('bnd,bmd->bnm', x, x)
    dist = jnp.sqrt(jnp.maximum(dist2, 1e-12))
    # knn_indices = dist.topk(k=seq_len)[1][:, :, -nb_neighbors-1:]
    _, idx_desc = jax.lax.top_k(dist, seq_len)  # sorted descending by distance
    knn_indices = idx_desc[:, :, -(NB_NEIGHBORS + 1):]  # (B, N, K) nearest K=nb+1, farthest-first
    # gather knn coordinates: (B, N, K, 2)
    batch_idx = jnp.arange(bsz)[:, None, None]
    knn_coords = x[batch_idx, knn_indices]
    # Conv1d with kernel_size == window length K -> single output position per node.
    # conv_out[b,n,e] = sum_{c,k} Wconv[e,c,k] * knn_coords[b,n,k,c] + bconv[e]
    conv_embedding = jnp.einsum('bnkc,eck->bne', knn_coords, Wconv) + bconv
    # conv_embedding = self.W2(conv_embedding)
    conv_embedding = conv_embedding @ W2 + b2
    final_embedding = node_embedding + conv_embedding
    return final_embedding

if __name__ == "__main__":
    import jax
    _d = setup_inputs()
    print(jax.jit(kernel)(*tuple(_d.values())))

</pallas_src>

<mosaic_0001>
#map = affine_map<(d0, d1) -> (0, 0)>
#map1 = affine_map<(d0, d1) -> (0)>
module attributes {stable_mosaic.version = 14 : i64} {
  func.func @k(%arg0: i32, %arg1: i32, %arg2: memref<16384x16xf32, #tpu.memory_space<hbm>>, %arg3: memref<163840xi32, #tpu.memory_space<hbm>>, %arg4: memref<163840x16xf32, #tpu.memory_space<hbm>>, %arg5: memref<5120xi32, #tpu.memory_space<vmem>>, %arg6: memref<5120x16xf32, #tpu.memory_space<vmem>>, %arg7: memref<!tpu.dma_semaphore, #tpu.memory_space<semaphore_mem>>) attributes {dimension_semantics = [#tpu.dimension_semantics<core_parallel>, #tpu.dimension_semantics<subcore_parallel>], iteration_bounds = array<i64: 2, 16>, scalar_prefetch = 0 : i64, scratch_operands = 3 : i64, tpu.core_type = #tpu.core_type<sc_vector_subcore>, window_params = [{transform_indices = #map}, {transform_indices = #map1}, {transform_indices = #map}]} {
    %mul3A = arith.constant 2 : i32
    %mul3A_0 = arith.muli %arg1, %mul3A : i32
    %add3A = arith.addi %mul3A_0, %arg0 : i32
    %mul3A_1 = arith.constant 5120 : i32
    %mul3A_2 = arith.muli %add3A, %mul3A_1 : i32
    "tpu.region"() ({
      %run_scoped3A = tpu.sem_alloc : memref<!tpu.dma_semaphore, #tpu.memory_space<semaphore_mem>>
      %dma_start3A = tpu.memref_slice %arg3[%mul3A_2] : memref<163840xi32, #tpu.memory_space<hbm>> -> memref<5120xi32, #tpu.memory_space<hbm>>
      %dma_start3A_16 = tpu.memref_slice %arg3[%mul3A_2] : memref<163840xi32, #tpu.memory_space<hbm>> -> memref<5120xi32, #tpu.memory_space<hbm>>
      tpu.enqueue_dma source(%dma_start3A_16 : memref<5120xi32, #tpu.memory_space<hbm>>) target(%arg5 : memref<5120xi32, #tpu.memory_space<vmem>>) target_semaphore(%run_scoped3A : memref<!tpu.dma_semaphore, #tpu.memory_space<semaphore_mem>>)
      %dma_wait3A = tpu.memref_slice %arg3[%mul3A_2] : memref<163840xi32, #tpu.memory_space<hbm>> -> memref<5120xi32, #tpu.memory_space<hbm>>
      %dma_wait3A_17 = tpu.memref_slice %arg3[%mul3A_2] : memref<163840xi32, #tpu.memory_space<hbm>> -> memref<5120xi32, #tpu.memory_space<hbm>>
      tpu.wait_dma2 semaphore(%run_scoped3A : memref<!tpu.dma_semaphore, #tpu.memory_space<semaphore_mem>>) src(%dma_wait3A_17 : memref<5120xi32, #tpu.memory_space<hbm>>) dst(%arg5 : memref<5120xi32, #tpu.memory_space<vmem>>)
      tpu.yield
    }) : () -> ()
    %scan3A = arith.constant 0 : i32
    %scan3A_3 = arith.constant 0 : i32
    %scan3A_4 = arith.constant 40 : i32
    %scan3A_5 = arith.addi %scan3A_3, %scan3A_4 : i32
    %scan3A_6 = arith.constant 1 : i32
    %scan3A_7 = scf.for %scan3A_16 = %scan3A_3 to %scan3A_5 step %scan3A_6 iter_args(%scan3A_17 = %scan3A) -> (i32)  : i32 {
      %mul3A_18 = arith.constant 128 : i32
      %mul3A_19 = arith.muli %scan3A_16, %mul3A_18 : i32
      %dma_start3A = arith.constant 0 : i32
      %dma_start3A_20 = tpu.memref_slice %arg6[%mul3A_19, %dma_start3A] : memref<5120x16xf32, #tpu.memory_space<vmem>> -> memref<128x16xf32, #tpu.memory_space<vmem>>
      %dma_start3A_21 = tpu.memref_slice %arg5[%mul3A_19] : memref<5120xi32, #tpu.memory_space<vmem>> -> memref<128xi32, #tpu.memory_space<vmem>>
      %dma_start3A_22 = arith.constant 0 : i32
      %dma_start3A_23 = arith.constant 0 : i32
      %dma_start3A_24 = tpu.memref_slice %arg2[%dma_start3A_22, %dma_start3A_23] : memref<16384x16xf32, #tpu.memory_space<hbm>> -> memref<16384x16xf32, #tpu.memory_space<hbm>>
      tpu.enqueue_indirect_dma source(%dma_start3A_24 : memref<16384x16xf32, #tpu.memory_space<hbm>>) target(%dma_start3A_20 : memref<128x16xf32, #tpu.memory_space<vmem>>) offsets(%dma_start3A_21 : memref<128xi32, #tpu.memory_space<vmem>>) semaphore(%arg7 : memref<!tpu.dma_semaphore, #tpu.memory_space<semaphore_mem>>)
      %scan3A_25 = arith.constant 0 : i32
      scf.yield %scan3A_25 : i32
    }
    %scan3A_8 = arith.constant 40 : i32
    %scan3A_9 = arith.constant 0 : i32
    %scan3A_10 = arith.constant 0 : i32
    %scan3A_11 = arith.constant 40 : i32
    %scan3A_12 = arith.addi %scan3A_10, %scan3A_11 : i32
    %scan3A_13 = arith.constant 1 : i32
    %scan3A_14 = scf.for %scan3A_16 = %scan3A_10 to %scan3A_12 step %scan3A_13 iter_args(%scan3A_17 = %scan3A_9) -> (i32)  : i32 {
      %mul3A_18 = arith.constant 128 : i32
      %mul3A_19 = arith.muli %scan3A_16, %mul3A_18 : i32
      %dma_wait3A = arith.constant 0 : i32
      %dma_wait3A_20 = tpu.memref_slice %arg6[%mul3A_19, %dma_wait3A] : memref<5120x16xf32, #tpu.memory_space<vmem>> -> memref<128x16xf32, #tpu.memory_space<vmem>>
      %dma_wait3A_21 = tpu.memref_slice %arg5[%mul3A_19] : memref<5120xi32, #tpu.memory_space<vmem>> -> memref<128xi32, #tpu.memory_space<vmem>>
      %dma_wait3A_22 = arith.constant 0 : i32
      %dma_wait3A_23 = arith.constant 0 : i32
      %dma_wait3A_24 = tpu.memref_slice %arg2[%dma_wait3A_22, %dma_wait3A_23] : memref<16384x16xf32, #tpu.memory_space<hbm>> -> memref<16384x16xf32, #tpu.memory_space<hbm>>
      tpu.wait_indirect_dma semaphore(%arg7 : memref<!tpu.dma_semaphore, #tpu.memory_space<semaphore_mem>>) src(%dma_wait3A_24 : memref<16384x16xf32, #tpu.memory_space<hbm>>) dst(%dma_wait3A_20 : memref<128x16xf32, #tpu.memory_space<vmem>>)
      %scan3A_25 = arith.constant 0 : i32
      scf.yield %scan3A_25 : i32
    }
    %scan3A_15 = arith.constant 40 : i32
    "tpu.region"() ({
      %run_scoped3A = tpu.sem_alloc : memref<!tpu.dma_semaphore, #tpu.memory_space<semaphore_mem>>
      %dma_start3A = arith.constant 0 : i32
      %dma_start3A_16 = tpu.memref_slice %arg4[%mul3A_2, %dma_start3A] : memref<163840x16xf32, #tpu.memory_space<hbm>> -> memref<5120x16xf32, #tpu.memory_space<hbm>>
      %dma_start3A_17 = arith.constant 0 : i32
      %dma_start3A_18 = tpu.memref_slice %arg4[%mul3A_2, %dma_start3A_17] : memref<163840x16xf32, #tpu.memory_space<hbm>> -> memref<5120x16xf32, #tpu.memory_space<hbm>>
      tpu.enqueue_dma source(%arg6 : memref<5120x16xf32, #tpu.memory_space<vmem>>) target(%dma_start3A_18 : memref<5120x16xf32, #tpu.memory_space<hbm>>) target_semaphore(%run_scoped3A : memref<!tpu.dma_semaphore, #tpu.memory_space<semaphore_mem>>)
      %dma_wait3A = arith.constant 0 : i32
      %dma_wait3A_19 = tpu.memref_slice %arg4[%mul3A_2, %dma_wait3A] : memref<163840x16xf32, #tpu.memory_space<hbm>> -> memref<5120x16xf32, #tpu.memory_space<hbm>>
      %dma_wait3A_20 = arith.constant 0 : i32
      %dma_wait3A_21 = tpu.memref_slice %arg4[%mul3A_2, %dma_wait3A_20] : memref<163840x16xf32, #tpu.memory_space<hbm>> -> memref<5120x16xf32, #tpu.memory_space<hbm>>
      tpu.wait_dma2 semaphore(%run_scoped3A : memref<!tpu.dma_semaphore, #tpu.memory_space<semaphore_mem>>) src(%arg6 : memref<5120x16xf32, #tpu.memory_space<vmem>>) dst(%dma_wait3A_21 : memref<5120x16xf32, #tpu.memory_space<hbm>>)
      tpu.yield
    }) : () -> ()
    return
  }
}

module attributes {stable_mosaic.version = 14 : i64} {
  func.func @_select_body(%arg0: i32, %arg1: i32, %arg2: memref<1x1024x2xf32, #tpu.memory_space<vmem>>, %arg3: memref<1x2x1024xf32, #tpu.memory_space<vmem>>, %arg4: memref<1x1024x10xi32, #tpu.memory_space<vmem>>) attributes {dimension_semantics = [#tpu.dimension_semantics<arbitrary>, #tpu.dimension_semantics<arbitrary>], iteration_bounds = array<i64: 16, 1>, scalar_prefetch = 0 : i64, scratch_operands = 0 : i64, tpu.core_type = #tpu.core_type<tc>, window_params = [{transform_indices = @transform_0, window_bounds = array<i64: 1, 1024, 2>}, {transform_indices = @transform_1, window_bounds = array<i64: 1, 2, 1024>}, {transform_indices = @transform_2, window_bounds = array<i64: 1, 1024, 10>}]} {
    %get3A = arith.constant 0 : index
    %get3A_0 = arith.constant 0 : index
    %get3A_1 = arith.constant 0 : index
    %get3A_2 = vector.load %arg2[%get3A, %get3A_0, %get3A_1] : memref<1x1024x2xf32, #tpu.memory_space<vmem>>, vector<1x1024x2xf32>
    %get3A_3 = vector.shape_cast %get3A_2 : vector<1x1024x2xf32> to vector<1024x2xf32>
    %get3A_4 = arith.constant 0 : index
    %get3A_5 = arith.constant 0 : index
    %get3A_6 = arith.constant 0 : index
    %get3A_7 = vector.load %arg3[%get3A_4, %get3A_5, %get3A_6] : memref<1x2x1024xf32, #tpu.memory_space<vmem>>, vector<1x2x1024xf32>
    %get3A_8 = vector.shape_cast %get3A_7 : vector<1x2x1024xf32> to vector<2x1024xf32>
    %slice3A = vector.extract_strided_slice %get3A_8 {offsets = [0, 0], sizes = [1, 1024], strides = [1, 1]} : vector<2x1024xf32> to vector<1x1024xf32>
    %slice3A_9 = vector.extract_strided_slice %get3A_8 {offsets = [1, 0], sizes = [1, 1024], strides = [1, 1]} : vector<2x1024xf32> to vector<1x1024xf32>
    %mul3A = arith.mulf %slice3A, %slice3A : vector<1x1024xf32>
    %mul3A_10 = arith.mulf %slice3A_9, %slice3A_9 : vector<1x1024xf32>
    %add3A = arith.addf %mul3A, %mul3A_10 : vector<1x1024xf32>
    %slice3A_11 = vector.extract_strided_slice %get3A_3 {offsets = [0, 0], sizes = [1024, 1], strides = [1, 1]} : vector<1024x2xf32> to vector<1024x1xf32>
    %slice3A_12 = vector.extract_strided_slice %get3A_3 {offsets = [0, 1], sizes = [1024, 1], strides = [1, 1]} : vector<1024x2xf32> to vector<1024x1xf32>
    %mul3A_13 = arith.mulf %slice3A_11, %slice3A_11 : vector<1024x1xf32>
    %mul3A_14 = arith.mulf %slice3A_12, %slice3A_12 : vector<1024x1xf32>
    %add3A_15 = arith.addf %mul3A_13, %mul3A_14 : vector<1024x1xf32>
    %dot_general3A = arith.constant dense<0.000000e+00> : vector<1024x1024xf32>
    %dot_general3A_16 = tpu.matmul %get3A_3, %get3A_8, %dot_general3A {dimension_numbers = #tpu.dot_dimension_numbers<[1], [0], [0], [1], [0, 0, 1, 1], [], []>, transpose_lhs_hint = false} : vector<1024x2xf32>, vector<2x1024xf32>, vector<1024x1024xf32> -> vector<1024x1024xf32>
    %add3A_17 = vector.broadcast %add3A_15 : vector<1024x1xf32> to vector<1024x1024xf32>
    %add3A_18 = vector.broadcast %add3A : vector<1x1024xf32> to vector<1024x1024xf32>
    %add3A_19 = arith.addf %add3A_17, %add3A_18 : vector<1024x1024xf32>
    %mul3A_20 = arith.constant 2.000000e+00 : f32
    %mul3A_21 = vector.broadcast %mul3A_20 : f32 to vector<1024x1024xf32>
    %mul3A_22 = arith.mulf %mul3A_21, %dot_general3A_16 : vector<1024x1024xf32>
    %sub3A = arith.subf %add3A_19, %mul3A_22 : vector<1024x1024xf32>
    %max3A = arith.constant 9.99999996E-13 : f32
    %max3A_23 = vector.broadcast %max3A : f32 to vector<1024x1024xf32>
    %max3A_24 = arith.maximumf %sub3A, %max3A_23 : vector<1024x1024xf32>
    %iota3A = tpu.iota {dimensions = array<i32: 1>} : vector<1024x1024xi32>
    %convert_element_type3A = arith.sitofp %iota3A : vector<1024x1024xi32> to vector<1024x1024xf32>
    %reduce_min3A = arith.constant dense<0x7F800000> : vector<1024xf32>
    %reduce_min3A_25 = vector.multi_reduction <minimumf>, %max3A_24, %reduce_min3A [1] : vector<1024x1024xf32> to vector<1024xf32>
    %broadcast_in_dim3A = vector.shape_cast %reduce_min3A_25 : vector<1024xf32> to vector<1024x1xf32>
    %eq3A = vector.broadcast %broadcast_in_dim3A : vector<1024x1xf32> to vector<1024x1024xf32>
    %eq3A_26 = arith.cmpf oeq, %max3A_24, %eq3A : vector<1024x1024xf32>
    %jit3A = arith.constant -1.000000e+00 : f32
    %broadcast_in_dim3A_27 = vector.broadcast %jit3A : f32 to vector<1024x1024xf32>
    %select_n3A = arith.select %eq3A_26, %convert_element_type3A, %broadcast_in_dim3A_27 : vector<1024x1024xi1>, vector<1024x1024xf32>
    %reduce_max3A = arith.constant dense<0xFF800000> : vector<1024xf32>
    %reduce_max3A_28 = vector.multi_reduction <maximumf>, %select_n3A, %reduce_max3A [1] : vector<1024x1024xf32> to vector<1024xf32>
    %broadcast_in_dim3A_29 = vector.shape_cast %reduce_max3A_28 : vector<1024xf32> to vector<1024x1xf32>
    %eq3A_30 = vector.broadcast %broadcast_in_dim3A_29 : vector<1024x1xf32> to vector<1024x1024xf32>
    %eq3A_31 = arith.cmpf oeq, %convert_element_type3A, %eq3A_30 : vector<1024x1024xf32>
    %jit3A_32 = arith.constant 0x7F800000 : f32
    %broadcast_in_dim3A_33 = vector.broadcast %jit3A_32 : f32 to vector<1024x1024xf32>
    %select_n3A_34 = arith.select %eq3A_31, %broadcast_in_dim3A_33, %max3A_24 : vector<1024x1024xi1>, vector<1024x1024xf32>
    %reduce_min3A_35 = arith.constant dense<0x7F800000> : vector<1024xf32>
    %reduce_min3A_36 = vector.multi_reduction <minimumf>, %select_n3A_34, %reduce_min3A_35 [1] : vector<1024x1024xf32> to vector<1024xf32>
    %broadcast_in_dim3A_37 = vector.shape_cast %reduce_min3A_36 : vector<1024xf32> to vector<1024x1xf32>
    %eq3A_38 = vector.broadcast %broadcast_in_dim3A_37 : vector<1024x1xf32> to vector<1024x1024xf32>
    %eq3A_39 = arith.cmpf oeq, %select_n3A_34, %eq3A_38 : vector<1024x1024xf32>
    %jit3A_40 = arith.constant -1.000000e+00 : f32
    %broadcast_in_dim3A_41 = vector.broadcast %jit3A_40 : f32 to vector<1024x1024xf32>
    %select_n3A_42 = arith.select %eq3A_39, %convert_element_type3A, %broadcast_in_dim3A_41 : vector<1024x1024xi1>, vector<1024x1024xf32>
    %reduce_max3A_43 = arith.constant dense<0xFF800000> : vector<1024xf32>
    %reduce_max3A_44 = vector.multi_reduction <maximumf>, %select_n3A_42, %reduce_max3A_43 [1] : vector<1024x1024xf32> to vector<1024xf32>
    %broadcast_in_dim3A_45 = vector.shape_cast %reduce_max3A_44 : vector<1024xf32> to vector<1024x1xf32>
    %eq3A_46 = vector.broadcast %broadcast_in_dim3A_45 : vector<1024x1xf32> to vector<1024x1024xf32>
    %eq3A_47 = arith.cmpf oeq, %convert_element_type3A, %eq3A_46 : vector<1024x1024xf32>
    %jit3A_48 = arith.constant 0x7F800000 : f32
    %broadcast_in_dim3A_49 = vector.broadcast %jit3A_48 : f32 to vector<1024x1024xf32>
    %select_n3A_50 = arith.select %eq3A_47, %broadcast_in_dim3A_49, %select_n3A_34 : vector<1024x1024xi1>, vector<1024x1024xf32>
    %reduce_min3A_51 = arith.constant dense<0x7F800000> : vector<1024xf32>
    %reduce_min3A_52 = vector.multi_reduction <minimumf>, %select_n3A_50, %reduce_min3A_51 [1] : vector<1024x1024xf32> to vector<1024xf32>
    %broadcast_in_dim3A_53 = vector.shape_cast %reduce_min3A_52 : vector<1024xf32> to vector<1024x1xf32>
    %eq3A_54 = vector.broadcast %broadcast_in_dim3A_53 : vector<1024x1xf32> to vector<1024x1024xf32>
    %eq3A_55 = arith.cmpf oeq, %select_n3A_50, %eq3A_54 : vector<1024x1024xf32>
    %jit3A_56 = arith.constant -1.000000e+00 : f32
    %broadcast_in_dim3A_57 = vector.broadcast %jit3A_56 : f32 to vector<1024x1024xf32>
    %select_n3A_58 = arith.select %eq3A_55, %convert_element_type3A, %broadcast_in_dim3A_57 : vector<1024x1024xi1>, vector<1024x1024xf32>
    %reduce_max3A_59 = arith.constant dense<0xFF800000> : vector<1024xf32>
    %reduce_max3A_60 = vector.multi_reduction <maximumf>, %select_n3A_58, %reduce_max3A_59 [1] : vector<1024x1024xf32> to vector<1024xf32>
    %broadcast_in_dim3A_61 = vector.shape_cast %reduce_max3A_60 : vector<1024xf32> to vector<1024x1xf32>
    %eq3A_62 = vector.broadcast %broadcast_in_dim3A_61 : vector<1024x1xf32> to vector<1024x1024xf32>
    %eq3A_63 = arith.cmpf oeq, %convert_element_type3A, %eq3A_62 : vector<1024x1024xf32>
    %jit3A_64 = arith.constant 0x7F800000 : f32
    %broadcast_in_dim3A_65 = vector.broadcast %jit3A_64 : f32 to vector<1024x1024xf32>
    %select_n3A_66 = arith.select %eq3A_63, %broadcast_in_dim3A_65, %select_n3A_50 : vector<1024x1024xi1>, vector<1024x1024xf32>
    %reduce_min3A_67 = arith.constant dense<0x7F800000> : vector<1024xf32>
    %reduce_min3A_68 = vector.multi_reduction <minimumf>, %select_n3A_66, %reduce_min3A_67 [1] : vector<1024x1024xf32> to vector<1024xf32>
    %broadcast_in_dim3A_69 = vector.shape_cast %reduce_min3A_68 : vector<1024xf32> to vector<1024x1xf32>
    %eq3A_70 = vector.broadcast %broadcast_in_dim3A_69 : vector<1024x1xf32> to vector<1024x1024xf32>
    %eq3A_71 = arith.cmpf oeq, %select_n3A_66, %eq3A_70 : vector<1024x1024xf32>
    %jit3A_72 = arith.constant -1.000000e+00 : f32
    %broadcast_in_dim3A_73 = vector.broadcast %jit3A_72 : f32 to vector<1024x1024xf32>
    %select_n3A_74 = arith.select %eq3A_71, %convert_element_type3A, %broadcast_in_dim3A_73 : vector<1024x1024xi1>, vector<1024x1024xf32>
    %reduce_max3A_75 = arith.constant dense<0xFF800000> : vector<1024xf32>
    %reduce_max3A_76 = vector.multi_reduction <maximumf>, %select_n3A_74, %reduce_max3A_75 [1] : vector<1024x1024xf32> to vector<1024xf32>
    %broadcast_in_dim3A_77 = vector.shape_cast %reduce_max3A_76 : vector<1024xf32> to vector<1024x1xf32>
    %eq3A_78 = vector.broadcast %broadcast_in_dim3A_77 : vector<1024x1xf32> to vector<1024x1024xf32>
    %eq3A_79 = arith.cmpf oeq, %convert_element_type3A, %eq3A_78 : vector<1024x1024xf32>
    %jit3A_80 = arith.constant 0x7F800000 : f32
    %broadcast_in_dim3A_81 = vector.broadcast %jit3A_80 : f32 to vector<1024x1024xf32>
    %select_n3A_82 = arith.select %eq3A_79, %broadcast_in_dim3A_81, %select_n3A_66 : vector<1024x1024xi1>, vector<1024x1024xf32>
    %reduce_min3A_83 = arith.constant dense<0x7F800000> : vector<1024xf32>
    %reduce_min3A_84 = vector.multi_reduction <minimumf>, %select_n3A_82, %reduce_min3A_83 [1] : vector<1024x1024xf32> to vector<1024xf32>
    %broadcast_in_dim3A_85 = vector.shape_cast %reduce_min3A_84 : vector<1024xf32> to vector<1024x1xf32>
    %eq3A_86 = vector.broadcast %broadcast_in_dim3A_85 : vector<1024x1xf32> to vector<1024x1024xf32>
    %eq3A_87 = arith.cmpf oeq, %select_n3A_82, %eq3A_86 : vector<1024x1024xf32>
    %jit3A_88 = arith.constant -1.000000e+00 : f32
    %broadcast_in_dim3A_89 = vector.broadcast %jit3A_88 : f32 to vector<1024x1024xf32>
    %select_n3A_90 = arith.select %eq3A_87, %convert_element_type3A, %broadcast_in_dim3A_89 : vector<1024x1024xi1>, vector<1024x1024xf32>
    %reduce_max3A_91 = arith.constant dense<0xFF800000> : vector<1024xf32>
    %reduce_max3A_92 = vector.multi_reduction <maximumf>, %select_n3A_90, %reduce_max3A_91 [1] : vector<1024x1024xf32> to vector<1024xf32>
    %broadcast_in_dim3A_93 = vector.shape_cast %reduce_max3A_92 : vector<1024xf32> to vector<1024x1xf32>
    %eq3A_94 = vector.broadcast %broadcast_in_dim3A_93 : vector<1024x1xf32> to vector<1024x1024xf32>
    %eq3A_95 = arith.cmpf oeq, %convert_element_type3A, %eq3A_94 : vector<1024x1024xf32>
    %jit3A_96 = arith.constant 0x7F800000 : f32
    %broadcast_in_dim3A_97 = vector.broadcast %jit3A_96 : f32 to vector<1024x1024xf32>
    %select_n3A_98 = arith.select %eq3A_95, %broadcast_in_dim3A_97, %select_n3A_82 : vector<1024x1024xi1>, vector<1024x1024xf32>
    %reduce_min3A_99 = arith.constant dense<0x7F800000> : vector<1024xf32>
    %reduce_min3A_100 = vector.multi_reduction <minimumf>, %select_n3A_98, %reduce_min3A_99 [1] : vector<1024x1024xf32> to vector<1024xf32>
    %broadcast_in_dim3A_101 = vector.shape_cast %reduce_min3A_100 : vector<1024xf32> to vector<1024x1xf32>
    %eq3A_102 = vector.broadcast %broadcast_in_dim3A_101 : vector<1024x1xf32> to vector<1024x1024xf32>
    %eq3A_103 = arith.cmpf oeq, %select_n3A_98, %eq3A_102 : vector<1024x1024xf32>
    %jit3A_104 = arith.constant -1.000000e+00 : f32
    %broadcast_in_dim3A_105 = vector.broadcast %jit3A_104 : f32 to vector<1024x1024xf32>
    %select_n3A_106 = arith.select %eq3A_103, %convert_element_type3A, %broadcast_in_dim3A_105 : vector<1024x1024xi1>, vector<1024x1024xf32>
    %reduce_max3A_107 = arith.constant dense<0xFF800000> : vector<1024xf32>
    %reduce_max3A_108 = vector.multi_reduction <maximumf>, %select_n3A_106, %reduce_max3A_107 [1] : vector<1024x1024xf32> to vector<1024xf32>
    %broadcast_in_dim3A_109 = vector.shape_cast %reduce_max3A_108 : vector<1024xf32> to vector<1024x1xf32>
    %eq3A_110 = vector.broadcast %broadcast_in_dim3A_109 : vector<1024x1xf32> to vector<1024x1024xf32>
    %eq3A_111 = arith.cmpf oeq, %convert_element_type3A, %eq3A_110 : vector<1024x1024xf32>
    %jit3A_112 = arith.constant 0x7F800000 : f32
    %broadcast_in_dim3A_113 = vector.broadcast %jit3A_112 : f32 to vector<1024x1024xf32>
    %select_n3A_114 = arith.select %eq3A_111, %broadcast_in_dim3A_113, %select_n3A_98 : vector<1024x1024xi1>, vector<1024x1024xf32>
    %reduce_min3A_115 = arith.constant dense<0x7F800000> : vector<1024xf32>
    %reduce_min3A_116 = vector.multi_reduction <minimumf>, %select_n3A_114, %reduce_min3A_115 [1] : vector<1024x1024xf32> to vector<1024xf32>
    %broadcast_in_dim3A_117 = vector.shape_cast %reduce_min3A_116 : vector<1024xf32> to vector<1024x1xf32>
    %eq3A_118 = vector.broadcast %broadcast_in_dim3A_117 : vector<1024x1xf32> to vector<1024x1024xf32>
    %eq3A_119 = arith.cmpf oeq, %select_n3A_114, %eq3A_118 : vector<1024x1024xf32>
    %jit3A_120 = arith.constant -1.000000e+00 : f32
    %broadcast_in_dim3A_121 = vector.broadcast %jit3A_120 : f32 to vector<1024x1024xf32>
    %select_n3A_122 = arith.select %eq3A_119, %convert_element_type3A, %broadcast_in_dim3A_121 : vector<1024x1024xi1>, vector<1024x1024xf32>
    %reduce_max3A_123 = arith.constant dense<0xFF800000> : vector<1024xf32>
    %reduce_max3A_124 = vector.multi_reduction <maximumf>, %select_n3A_122, %reduce_max3A_123 [1] : vector<1024x1024xf32> to vector<1024xf32>
    %broadcast_in_dim3A_125 = vector.shape_cast %reduce_max3A_124 : vector<1024xf32> to vector<1024x1xf32>
    %eq3A_126 = vector.broadcast %broadcast_in_dim3A_125 : vector<1024x1xf32> to vector<1024x1024xf32>
    %eq3A_127 = arith.cmpf oeq, %convert_element_type3A, %eq3A_126 : vector<1024x1024xf32>
    %jit3A_128 = arith.constant 0x7F800000 : f32
    %broadcast_in_dim3A_129 = vector.broadcast %jit3A_128 : f32 to vector<1024x1024xf32>
    %select_n3A_130 = arith.select %eq3A_127, %broadcast_in_dim3A_129, %select_n3A_114 : vector<1024x1024xi1>, vector<1024x1024xf32>
    %reduce_min3A_131 = arith.constant dense<0x7F800000> : vector<1024xf32>
    %reduce_min3A_132 = vector.multi_reduction <minimumf>, %select_n3A_130, %reduce_min3A_131 [1] : vector<1024x1024xf32> to vector<1024xf32>
    %broadcast_in_dim3A_133 = vector.shape_cast %reduce_min3A_132 : vector<1024xf32> to vector<1024x1xf32>
    %eq3A_134 = vector.broadcast %broadcast_in_dim3A_133 : vector<1024x1xf32> to vector<1024x1024xf32>
    %eq3A_135 = arith.cmpf oeq, %select_n3A_130, %eq3A_134 : vector<1024x1024xf32>
    %jit3A_136 = arith.constant -1.000000e+00 : f32
    %broadcast_in_dim3A_137 = vector.broadcast %jit3A_136 : f32 to vector<1024x1024xf32>
    %select_n3A_138 = arith.select %eq3A_135, %convert_element_type3A, %broadcast_in_dim3A_137 : vector<1024x1024xi1>, vector<1024x1024xf32>
    %reduce_max3A_139 = arith.constant dense<0xFF800000> : vector<1024xf32>
    %reduce_max3A_140 = vector.multi_reduction <maximumf>, %select_n3A_138, %reduce_max3A_139 [1] : vector<1024x1024xf32> to vector<1024xf32>
    %broadcast_in_dim3A_141 = vector.shape_cast %reduce_max3A_140 : vector<1024xf32> to vector<1024x1xf32>
    %eq3A_142 = vector.broadcast %broadcast_in_dim3A_141 : vector<1024x1xf32> to vector<1024x1024xf32>
    %eq3A_143 = arith.cmpf oeq, %convert_element_type3A, %eq3A_142 : vector<1024x1024xf32>
    %jit3A_144 = arith.constant 0x7F800000 : f32
    %broadcast_in_dim3A_145 = vector.broadcast %jit3A_144 : f32 to vector<1024x1024xf32>
    %select_n3A_146 = arith.select %eq3A_143, %broadcast_in_dim3A_145, %select_n3A_130 : vector<1024x1024xi1>, vector<1024x1024xf32>
    %reduce_min3A_147 = arith.constant dense<0x7F800000> : vector<1024xf32>
    %reduce_min3A_148 = vector.multi_reduction <minimumf>, %select_n3A_146, %reduce_min3A_147 [1] : vector<1024x1024xf32> to vector<1024xf32>
    %broadcast_in_dim3A_149 = vector.shape_cast %reduce_min3A_148 : vector<1024xf32> to vector<1024x1xf32>
    %eq3A_150 = vector.broadcast %broadcast_in_dim3A_149 : vector<1024x1xf32> to vector<1024x1024xf32>
    %eq3A_151 = arith.cmpf oeq, %select_n3A_146, %eq3A_150 : vector<1024x1024xf32>
    %jit3A_152 = arith.constant -1.000000e+00 : f32
    %broadcast_in_dim3A_153 = vector.broadcast %jit3A_152 : f32 to vector<1024x1024xf32>
    %select_n3A_154 = arith.select %eq3A_151, %convert_element_type3A, %broadcast_in_dim3A_153 : vector<1024x1024xi1>, vector<1024x1024xf32>
    %reduce_max3A_155 = arith.constant dense<0xFF800000> : vector<1024xf32>
    %reduce_max3A_156 = vector.multi_reduction <maximumf>, %select_n3A_154, %reduce_max3A_155 [1] : vector<1024x1024xf32> to vector<1024xf32>
    %broadcast_in_dim3A_157 = vector.shape_cast %reduce_max3A_156 : vector<1024xf32> to vector<1024x1xf32>
    %eq3A_158 = vector.broadcast %broadcast_in_dim3A_157 : vector<1024x1xf32> to vector<1024x1024xf32>
    %eq3A_159 = arith.cmpf oeq, %convert_element_type3A, %eq3A_158 : vector<1024x1024xf32>
    %jit3A_160 = arith.constant 0x7F800000 : f32
    %broadcast_in_dim3A_161 = vector.broadcast %jit3A_160 : f32 to vector<1024x1024xf32>
    %select_n3A_162 = arith.select %eq3A_159, %broadcast_in_dim3A_161, %select_n3A_146 : vector<1024x1024xi1>, vector<1024x1024xf32>
    %reduce_min3A_163 = arith.constant dense<0x7F800000> : vector<1024xf32>
    %reduce_min3A_164 = vector.multi_reduction <minimumf>, %select_n3A_162, %reduce_min3A_163 [1] : vector<1024x1024xf32> to vector<1024xf32>
    %broadcast_in_dim3A_165 = vector.shape_cast %reduce_min3A_164 : vector<1024xf32> to vector<1024x1xf32>
    %eq3A_166 = vector.broadcast %broadcast_in_dim3A_165 : vector<1024x1xf32> to vector<1024x1024xf32>
    %eq3A_167 = arith.cmpf oeq, %select_n3A_162, %eq3A_166 : vector<1024x1024xf32>
    %jit3A_168 = arith.constant -1.000000e+00 : f32
    %broadcast_in_dim3A_169 = vector.broadcast %jit3A_168 : f32 to vector<1024x1024xf32>
    %select_n3A_170 = arith.select %eq3A_167, %convert_element_type3A, %broadcast_in_dim3A_169 : vector<1024x1024xi1>, vector<1024x1024xf32>
    %reduce_max3A_171 = arith.constant dense<0xFF800000> : vector<1024xf32>
    %reduce_max3A_172 = vector.multi_reduction <maximumf>, %select_n3A_170, %reduce_max3A_171 [1] : vector<1024x1024xf32> to vector<1024xf32>
    %broadcast_in_dim3A_173 = vector.shape_cast %reduce_max3A_172 : vector<1024xf32> to vector<1024x1xf32>
    %concatenate3A = tpu.concatenate %broadcast_in_dim3A_29, %broadcast_in_dim3A_45, %broadcast_in_dim3A_61, %broadcast_in_dim3A_77, %broadcast_in_dim3A_93, %broadcast_in_dim3A_109, %broadcast_in_dim3A_125, %broadcast_in_dim3A_141, %broadcast_in_dim3A_157, %broadcast_in_dim3A_173 in 1 : vector<1024x1xf32>, vector<1024x1xf32>, vector<1024x1xf32>, vector<1024x1xf32>, vector<1024x1xf32>, vector<1024x1xf32>, vector<1024x1xf32>, vector<1024x1xf32>, vector<1024x1xf32>, vector<1024x1xf32> -> vector<1024x10xf32>
    %convert_element_type3A_174 = arith.fptosi %concatenate3A : vector<1024x10xf32> to vector<1024x10xi32>
    %mul3A_175 = arith.constant 1024 : i32
    %mul3A_176 = arith.muli %arg0, %mul3A_175 : i32
    %add3A_177 = vector.broadcast %mul3A_176 : i32 to vector<1024x10xi32>
    %add3A_178 = arith.addi %convert_element_type3A_174, %add3A_177 : vector<1024x10xi32>
    %swap3A = arith.constant 0 : index
    %swap3A_179 = arith.constant 0 : index
    %swap3A_180 = arith.constant 0 : index
    %swap3A_181 = vector.load %arg4[%swap3A, %swap3A_179, %swap3A_180] : memref<1x1024x10xi32, #tpu.memory_space<vmem>>, vector<1x1024x10xi32>
    %swap3A_182 = vector.shape_cast %swap3A_181 : vector<1x1024x10xi32> to vector<1024x10xi32>
    %swap3A_183 = vector.shape_cast %add3A_178 : vector<1024x10xi32> to vector<1x1024x10xi32>
    tpu.vector_store %arg4[%swap3A, %swap3A_179, %swap3A_180], %swap3A_183 {strides = array<i32>} : memref<1x1024x10xi32, #tpu.memory_space<vmem>>, vector<1x1024x10xi32>,
    return
  }
  func.func @transform_0(%arg0: i32, %arg1: i32) -> (i32, i32, i32) {
    %c0_i32 = arith.constant 0 : i32
    %c0_i32_0 = arith.constant 0 : i32
    return %arg0, %arg1, %c0_i32 : i32, i32, i32
  }
  func.func @transform_1(%arg0: i32, %arg1: i32) -> (i32, i32, i32) {
    %c0_i32 = arith.constant 0 : i32
    %c0_i32_0 = arith.constant 0 : i32
    %c0_i32_1 = arith.constant 0 : i32
    return %arg0, %c0_i32, %c0_i32_0 : i32, i32, i32
  }
  func.func @transform_2(%arg0: i32, %arg1: i32) -> (i32, i32, i32) {
    %c0_i32 = arith.constant 0 : i32
    %c0_i32_0 = arith.constant 0 : i32
    return %arg0, %arg1, %c0_i32 : i32, i32, i32
  }
}

module attributes {stable_mosaic.version = 14 : i64} {
  func.func @_dense_body(%arg0: i32, %arg1: memref<2048x2xf32, #tpu.memory_space<vmem>>, %arg2: memref<2048x160xf32, #tpu.memory_space<vmem>>, %arg3: memref<2x128xf32, #tpu.memory_space<vmem>>, %arg4: memref<160x128xf32, #tpu.memory_space<vmem>>, %arg5: memref<128x128xf32, #tpu.memory_space<vmem>>, %arg6: memref<1x128xf32, #tpu.memory_space<vmem>>, %arg7: memref<1x128xf32, #tpu.memory_space<vmem>>, %arg8: memref<2048x128xf32, #tpu.memory_space<vmem>>) attributes {dimension_semantics = [#tpu.dimension_semantics<arbitrary>], iteration_bounds = array<i64: 8>, scalar_prefetch = 0 : i64, scratch_operands = 0 : i64, tpu.core_type = #tpu.core_type<tc>, window_params = [{transform_indices = @transform_0, window_bounds = array<i64: 2048, 2>}, {transform_indices = @transform_1, window_bounds = array<i64: 2048, 160>}, {pipeline_mode = #tpu.pipeline_mode<synchronous>, transform_indices = @transform_2, window_bounds = array<i64: 2, 128>}, {pipeline_mode = #tpu.pipeline_mode<synchronous>, transform_indices = @transform_3, window_bounds = array<i64: 160, 128>}, {pipeline_mode = #tpu.pipeline_mode<synchronous>, transform_indices = @transform_4, window_bounds = array<i64: 128, 128>}, {pipeline_mode = #tpu.pipeline_mode<synchronous>, transform_indices = @transform_5, window_bounds = array<i64: 1, 128>}, {pipeline_mode = #tpu.pipeline_mode<synchronous>, transform_indices = @transform_6, window_bounds = array<i64: 1, 128>}, {transform_indices = @transform_7, window_bounds = array<i64: 2048, 128>}]} {
    %get3A = arith.constant 0 : index
    %get3A_0 = arith.constant 0 : index
    %get3A_1 = vector.load %arg4[%get3A, %get3A_0] : memref<160x128xf32, #tpu.memory_space<vmem>>, vector<160x128xf32>
    %get3A_2 = arith.constant 0 : index
    %get3A_3 = arith.constant 0 : index
    %get3A_4 = vector.load %arg5[%get3A_2, %get3A_3] : memref<128x128xf32, #tpu.memory_space<vmem>>, vector<128x128xf32>
    %dot_general3A = arith.constant dense<0.000000e+00> : vector<160x128xf32>
    %dot_general3A_5 = tpu.matmul %get3A_1, %get3A_4, %dot_general3A {dimension_numbers = #tpu.dot_dimension_numbers<[1], [0], [0], [1], [0, 0, 1, 1], [], []>, transpose_lhs_hint = false} : vector<160x128xf32>, vector<128x128xf32>, vector<160x128xf32> -> vector<160x128xf32>
    %get3A_6 = arith.constant 0 : index
    %get3A_7 = arith.constant 0 : index
    %get3A_8 = vector.load %arg6[%get3A_6, %get3A_7] : memref<1x128xf32, #tpu.memory_space<vmem>>, vector<1x128xf32>
    %get3A_9 = arith.constant 0 : index
    %get3A_10 = arith.constant 0 : index
    %get3A_11 = vector.load %arg7[%get3A_9, %get3A_10] : memref<1x128xf32, #tpu.memory_space<vmem>>, vector<1x128xf32>
    %get3A_12 = arith.constant 0 : index
    %get3A_13 = arith.constant 0 : index
    %get3A_14 = vector.load %arg5[%get3A_12, %get3A_13] : memref<128x128xf32, #tpu.memory_space<vmem>>, vector<128x128xf32>
    %dot_general3A_15 = arith.constant dense<0.000000e+00> : vector<1x128xf32>
    %dot_general3A_16 = tpu.matmul %get3A_11, %get3A_14, %dot_general3A_15 {dimension_numbers = #tpu.dot_dimension_numbers<[1], [0], [0], [1], [0, 0, 1, 1], [], []>, transpose_lhs_hint = false} : vector<1x128xf32>, vector<128x128xf32>, vector<1x128xf32> -> vector<1x128xf32>
    %add3A = arith.addf %get3A_8, %dot_general3A_16 : vector<1x128xf32>
    %get3A_17 = arith.constant 0 : index
    %get3A_18 = arith.constant 0 : index
    %get3A_19 = vector.load %arg1[%get3A_17, %get3A_18] : memref<2048x2xf32, #tpu.memory_space<vmem>>, vector<2048x2xf32>
    %get3A_20 = arith.constant 0 : index
    %get3A_21 = arith.constant 0 : index
    %get3A_22 = vector.load %arg3[%get3A_20, %get3A_21] : memref<2x128xf32, #tpu.memory_space<vmem>>, vector<2x128xf32>
    %dot_general3A_23 = arith.constant dense<0.000000e+00> : vector<2048x128xf32>
    %dot_general3A_24 = tpu.matmul %get3A_19, %get3A_22, %dot_general3A_23 {dimension_numbers = #tpu.dot_dimension_numbers<[1], [0], [0], [1], [0, 0, 1, 1], [], []>, transpose_lhs_hint = false} : vector<2048x2xf32>, vector<2x128xf32>, vector<2048x128xf32> -> vector<2048x128xf32>
    %get3A_25 = arith.constant 0 : index
    %get3A_26 = arith.constant 0 : index
    %get3A_27 = vector.load %arg2[%get3A_25, %get3A_26] : memref<2048x160xf32, #tpu.memory_space<vmem>>, vector<2048x160xf32>
    %dot_general3A_28 = arith.constant dense<0.000000e+00> : vector<2048x128xf32>
    %dot_general3A_29 = tpu.matmul %get3A_27, %dot_general3A_5, %dot_general3A_28 {dimension_numbers = #tpu.dot_dimension_numbers<[1], [0], [0], [1], [0, 0, 1, 1], [], []>, transpose_lhs_hint = false} : vector<2048x160xf32>, vector<160x128xf32>, vector<2048x128xf32> -> vector<2048x128xf32>
    %add3A_30 = arith.addf %dot_general3A_24, %dot_general3A_29 : vector<2048x128xf32>
    %add3A_31 = vector.broadcast %add3A : vector<1x128xf32> to vector<2048x128xf32>
    %add3A_32 = arith.addf %add3A_30, %add3A_31 : vector<2048x128xf32>
    %swap3A = arith.constant 0 : index
    %swap3A_33 = arith.constant 0 : index
    %swap3A_34 = vector.load %arg8[%swap3A, %swap3A_33] : memref<2048x128xf32, #tpu.memory_space<vmem>>, vector<2048x128xf32>
    tpu.vector_store %arg8[%swap3A, %swap3A_33], %add3A_32 {strides = array<i32>} : memref<2048x128xf32, #tpu.memory_space<vmem>>, vector<2048x128xf32>,
    return
  }
  func.func @transform_0(%arg0: i32) -> (i32, i32) {
    %c0_i32 = arith.constant 0 : i32
    %c0_i32_0 = arith.constant 0 : i32
    return %arg0, %c0_i32 : i32, i32
  }
  func.func @transform_1(%arg0: i32) -> (i32, i32) {
    %c0_i32 = arith.constant 0 : i32
    %c0_i32_0 = arith.constant 0 : i32
    return %arg0, %c0_i32 : i32, i32
  }
  func.func @transform_2(%arg0: i32) -> (i32, i32) {
    %c0_i32 = arith.constant 0 : i32
    %c0_i32_0 = arith.constant 0 : i32
    %c0_i32_1 = arith.constant 0 : i32
    return %c0_i32, %c0_i32_0 : i32, i32
  }
  func.func @transform_3(%arg0: i32) -> (i32, i32) {
    %c0_i32 = arith.constant 0 : i32
    %c0_i32_0 = arith.constant 0 : i32
    %c0_i32_1 = arith.constant 0 : i32
    return %c0_i32, %c0_i32_0 : i32, i32
  }
  func.func @transform_4(%arg0: i32) -> (i32, i32) {
    %c0_i32 = arith.constant 0 : i32
    %c0_i32_0 = arith.constant 0 : i32
    %c0_i32_1 = arith.constant 0 : i32
    return %c0_i32, %c0_i32_0 : i32, i32
  }
  func.func @transform_5(%arg0: i32) -> (i32, i32) {
    %c0_i32 = arith.constant 0 : i32
    %c0_i32_0 = arith.constant 0 : i32
    %c0_i32_1 = arith.constant 0 : i32
    return %c0_i32, %c0_i32_0 : i32, i32
  }
  func.func @transform_6(%arg0: i32) -> (i32, i32) {
    %c0_i32 = arith.constant 0 : i32
    %c0_i32_0 = arith.constant 0 : i32
    %c0_i32_1 = arith.constant 0 : i32
    return %c0_i32, %c0_i32_0 : i32, i32
  }
  func.func @transform_7(%arg0: i32) -> (i32, i32) {
    %c0_i32 = arith.constant 0 : i32
    %c0_i32_0 = arith.constant 0 : i32
    return %arg0, %c0_i32 : i32, i32
  }
}

</mosaic_0001>

<sc_bundles>
// kernel: kernel.5.cloned.1.call-start
scs
__scs_entry_jumppad:
0x0: {  	(pc) =	sbr.rel $0x88, $3  }
0x1: {  	(tag) =	ssettag $0x0;
	lr =	simm.s32 $0x1  }
0x2: {  	[smem:$0x3F9A] =	sst lr;
	_ =	strace $0xD0000000  }
0x3: {  	_ = 	snop  }
0x4: {  	_ = 	snop  }
0x5: {  	_ = 	snop  }
0x6: {  	_ = 	snop  }
0x7: {  	_ = 	snop  }
__scs_overlays_trampoline_lowered:
0x8: {  	[smem:$0x3FA9] =	sst s0  }
0x9: {  	[smem:$0x3FAA] =	sst s1  }
0xa: {  	[smem:$0x3FAB] =	sst s2  }
0xb: {  	[smem:$0x3FAC] =	sst s3  }
0xc: {  	[smem:$0x3FAD] =	sst s4  }
0xd: {  	[smem:$0x3FAE] =	sst s5  }
0xe: {  	[smem:$0x3FAF] =	sst s6  }
0xf: {  	[smem:$0x3FB0] =	sst s7  }
0x10: {  	[smem:$0x3FB1] =	sst s8  }
0x11: {  	[smem:$0x3FB2] =	sst s9;
	s0 =	simm.s32 @!p0 $0x0  }
0x12: {  	s1 =	sld [smem:$0x3F98];
	s0 =	simm.s32 @p0 $0x1  }
0x13: {  	[smem:$0x3FB3] =	sst s0;
	s0 =	simm.s32 @!p1 $0x0  }
0x14: {  	s2 =	sld [smem:$0x3F97];
	s0 =	simm.s32 @p1 $0x1  }
0x15: {  	[smem:$0x3FB4] =	sst s0;
	s0 =	simm.s32 @!p2 $0x0  }
0x16: {  	s3 =	sld [smem:$0x3FDB];
	s0 =	simm.s32 @p2 $0x1  }
0x17: {  	s4 =	simm.s32 $0x1BF5;
	[smem:$0x3FB6] =	sst s0  }
0x18: {  	s0 =	sld [smem:$0x3F99];
	_ =	swait.ge [sflag:s4], $0x0  }
0x19: {  	s7 =	sld [smem:$0x3F9A]  }
0x1a: {  	s8 =	sadd.s32 $0xFFFFE003, lr  }
0x1b: {  	s9 =	sadd.s32 $0xFFFFFEF7, lr;
	s5 =	simm.s32 $0xFFFFFFFF;
	p2 =	slt.u32 s8, $0xFFFFF086  }
0x1c: {  	p1 =	slt.u32 s9, $0xF7A;
	s5 =	simm.s32 @!p2 $0x0  }
0x1d: {  	s5 =	simm.s32 @p1 $0x1;
	p0 =	seq.s32 s7, s2  }
0x1e: {  	s7 =	smul.u32 @!p0 $0xF7A, s2;
	p2 =	seq.s32 @!p0 s5, $0x0  }
0x1f: {  	s9 =	smul.u32 $0xF7A, s1;
	s8 =	simm.s32 @!p0 $0x1BF5;
	p2 =	por !p2, p0  }
0x20: {  	[sflag:s8] =	ssyncset.s32 @!p0 $0xFFFFF086;
	s6 =	sadd.s32 @!p0 s3, s7;
	s7 =	simm.s32 @!p0 $0x108  }
0x21: {  	s3 =	sadd.s32 s3, s9;
	s6 =	sadd.s32 @!p0 $0x88, s6;
	s7 =	simm.s32 @p2 $0x1082  }
0x22: {  	[simem:s7], [sflag:s8] =	dma.local @!p0 [hbm:s6], $0xF7A  }
0x23: {  	s9 =	sor.u32 $0xD0000000, s2;
	s6 =	simm.s32 $0x108;
	_ =	swait.ge @!p0 [sflag:s8], $0x0  }
0x24: {  	s3 =	sadd.s32 $0x88, s3;
	s6 =	simm.s32 @!p1 $0x1082;
	[sflag:s4] =	ssyncset.s32 $0xFFFFF086  }
0x25: {  	[simem:s6], [sflag:s4] =	dma.local [hbm:s3], $0xF7A  }
0x26: {  	[smem:$0x3F9A] =	sst s1;
	(tag) =	ssettag s2;
	_ =	strace s9  }
0x27: {  	s1 =	sld [smem:$0x3FAA]  }
0x28: {  	s2 =	sld [smem:$0x3FAB]  }
0x29: {  	s4 =	sld [smem:$0x3FAD]  }
0x2a: {  	p0 =	seq.s32 s5, $0x0;
	s5 =	sld [smem:$0x3FAE]  }
0x2b: {  	s6 =	sld [smem:$0x3FAF]  }
0x2c: {  	s7 =	sld [smem:$0x3FB0]  }
0x2d: {  	s3 =	simm.s32 $0x108;
	s8 =	sld [smem:$0x3FB1]  }
0x2e: {  	s3 =	simm.s32 @!p0 $0x1082;
	s9 =	sld [smem:$0x3FB2]  }
0x2f: {  	lr =	sadd.s32 s0, s3;
	s0 =	sld [smem:$0x3FA9]  }
0x30: {  	s3 =	sld [smem:$0x3FAC]  }
0x31: {  	[smem:$0x3FB5] =	sst s10  }
0x32: {  	s10 =	sld [smem:$0x3FB3];
	_ =	sdelay $0x3  }
0x33: {  	p0 =	seq.s32 s10, $0x1;
	s10 =	sld [smem:$0x3FB5];
	_ =	sdelay $0x3  }
0x34: {  	[smem:$0x3FB5] =	sst s10  }
0x35: {  	s10 =	sld [smem:$0x3FB4];
	_ =	sdelay $0x3  }
0x36: {  	p1 =	seq.s32 s10, $0x1;
	s10 =	sld [smem:$0x3FB5];
	_ =	sdelay $0x3  }
0x37: {  	[smem:$0x3FB5] =	sst s10  }
0x38: {  	s10 =	sld [smem:$0x3FB6]  }
0x39: {  	_ = 	snop;
	(pc) =	sbr.ind lr, $3  }
0x3a: {  	_ = 	snop  }
0x3b: {  	_ = 	snop  }
0x3c: {  	p2 =	seq.s32 s10, $0x1;
	s10 =	sld [smem:$0x3FB5]  }
0x3d: {  	_ =	shalt  }
0x3e: {  	_ =	shalt  }
0x3f: {  	_ =	shalt  }
0x40: {  	_ =	shalt  }
0x41: {  	_ =	shalt  }
0x42: {  	_ =	shalt  }
0x43: {  	_ =	shalt  }
0x44: {  	_ =	shalt  }
0x45: {  	_ =	shalt  }
0x46: {  	_ =	shalt  }
0x47: {  	_ =	shalt  }
0x48: {  	_ =	shalt  }
0x49: {  	_ =	shalt  }
0x4a: {  	_ =	shalt  }
0x4b: {  	_ =	shalt  }
0x4c: {  	_ =	shalt  }
0x4d: {  	_ =	shalt  }
0x4e: {  	_ =	shalt  }
0x4f: {  	_ =	shalt  }
0x50: {  	_ =	shalt  }
0x51: {  	_ =	shalt  }
0x52: {  	_ =	shalt  }
0x53: {  	_ =	shalt  }
0x54: {  	_ =	shalt  }
0x55: {  	_ =	shalt  }
0x56: {  	_ =	shalt  }
0x57: {  	_ =	shalt  }
0x58: {  	_ =	shalt  }
0x59: {  	_ =	shalt  }
0x5a: {  	_ =	shalt  }
0x5b: {  	_ =	shalt  }
0x5c: {  	_ =	shalt  }
0x5d: {  	_ =	shalt  }
0x5e: {  	_ =	shalt  }
0x5f: {  	_ =	shalt  }
0x60: {  	_ =	shalt  }
0x61: {  	_ =	shalt  }
0x62: {  	_ =	shalt  }
0x63: {  	_ =	shalt  }
0x64: {  	_ =	shalt  }
0x65: {  	_ =	shalt  }
0x66: {  	_ =	shalt  }
0x67: {  	_ =	shalt  }
0x68: {  	_ =	shalt  }
0x69: {  	_ =	shalt  }
0x6a: {  	_ =	shalt  }
0x6b: {  	_ =	shalt  }
0x6c: {  	_ =	shalt  }
0x6d: {  	_ =	shalt  }
0x6e: {  	_ =	shalt  }
0x6f: {  	_ =	shalt  }
0x70: {  	_ =	shalt  }
0x71: {  	_ =	shalt  }
0x72: {  	_ =	shalt  }
0x73: {  	_ =	shalt  }
0x74: {  	_ =	shalt  }
0x75: {  	_ =	shalt  }
0x76: {  	_ =	shalt  }
0x77: {  	_ =	shalt  }
0x78: {  	_ =	shalt  }
0x79: {  	_ =	shalt  }
0x7a: {  	_ =	shalt  }
0x7b: {  	_ =	shalt  }
0x7c: {  	_ =	shalt  }
0x7d: {  	_ =	shalt  }
0x7e: {  	_ =	shalt  }
0x7f: {  	_ =	shalt  }
0x80: {  	_ =	shalt  }
0x81: {  	_ =	shalt  }
0x82: {  	_ =	shalt  }
0x83: {  	_ =	shalt  }
0x84: {  	_ =	shalt  }
0x85: {  	_ =	shalt  }
0x86: {  	_ =	shalt  }
0x87: {  	_ =	shalt  }
.Lfunc_end0:
.L_simem_size_0:
called_computation_lowered:
.L_overlay_start_0:
0x88: {  	s2 =	sld [smem:$0x3FD9]  }
0x89: {  	s3 =	sld [smem:$0x3FFE];
	_ =	sdelay $0x1  }
0x8a: {  	s1 =	srdreg.scid  }
0x8b: {  	s0 =	sand.u32 $0x1, s1  }
0x8c: {  	s17 =	sshll.u32 s0, $0xA;
	s2 =	sadd.s32 s3, s2  }
0x8d: {  	s2 =	sadd.s32 s2, s17  }
0x8e: {  	[smem:$0x3FC1] =	sst s2  }
0x8f: {  	_ = 	snop  }
0x90: {  	s2 =	sld [smem:$0x3FD0];
	(tm) =	ssettm $0x1  }
0x91: {  	s18 =	sld [smem:$0x3FFB];
	_ =	sdelay $0x3  }
0x92: {  	_ =	strace s18  }
0x93: {  	s3 =	sld [smem:$0x3FFC];
	_ =	sdelay $0x3  }
0x94: {  	_ =	strace s3  }
0x95: {  	s3 =	sld [smem:$0x3FFD];
	_ =	sdelay $0x3  }
0x96: {  	_ =	strace s3  }
0x97: {  	_ =	strace $0x8FFFFFFF  }
0x98: {  	s19 =	sld [smem:$0x3FDB];
	_ =	sdelay $0x1  }
0x99: {  	s4 =	simm.s32 $_scs_section_size  }
0x9a: {  	s5 =	simm.s32 $_size__tile_overlayer_lowered;
	s6 =	simm.s32 $_tile_overlayer_lowered  }
0x9b: {  	s22 =	simm.s32 $0x1BFF;
	s21 =	sshll.u32 s6, $0x1;
	s3 =	sadd.s32 s4, s19  }
0x9c: {  	s7 =	simm.s32 $0x0;
	s20 =	sshll.u32 s5, $0x1;
	s5 =	sadd.s32 s21, s3  }
0x9d: {  	[timem:s7], [sflag:s22] =	dma.local [hbm:s5], s20  }
0x9e: {  	_ =	swait.ge [sflag:s22], s20  }
0x9f: {  	s4 =	ssub.s32 $0x0, s20;
	[sflag:s22] =	ssyncset.done $0x0  }
0xa0: {  	[sflag:s22] =	ssyncadd.s32 s4;
	_ =	sdelay $0x1  }
0xa1: {  	s23 =	simm.s32 $0x1B8B  }
0xa2: {  	_ =	swait.ge [sflag:s23], $0x1  }
0xa3: {  	[sflag:s23] =	ssyncset.done $0x0  }
0xa4: {  	s25 =	simm.s32 $0x1B8E;
	s24 =	sld [smem:$0x3FFE];
	[sflag:s23] =	ssyncadd.s32 $0xFFFFFFFF  }
0xa5: {  	s26 =	simm.s32 $execute0_lowered;
	[smem:$0x3FD2] =	sst s25  }
0xa6: {  	s5 =	sshll.u32 s26, $0x1;
	_ =	strace $0x80000046;
	[dreg:$0x1] =	wrdreg $0xFFFFFFFF  }
0xa7: {  	s28 =	simm.s32 $_size_execute0_lowered;
	s3 =	sadd.s32 s3, s5;
	[dreg:$0x0] =	wrdreg $0x0  }
0xa8: {  	s5 =	sshll.u32 s28, $0x1;
	[dreg:$0x2] =	wrdreg s3  }
0xa9: {  	[dreg:$0x3] =	wrdreg s5  }
0xaa: {  	[dreg:$0x4] =	wrdreg $0xC0  }
0xab: {  	_ =	task [dreg:s7], $0x5FFFF  }
0xac: {  	[dreg:$0x1] =	wrdreg $0xFFFFFFFF  }
0xad: {  	[dreg:$0x0] =	wrdreg $0x60  }
0xae: {  	[dreg:$0x2] =	wrdreg s2  }
0xaf: {  	[dreg:$0x3] =	wrdreg s24  }
0xb0: {  	[dreg:$0x4] =	wrdreg $0x9  }
0xb1: {  	_ =	task.clear_ibuf [dreg:s7], $0x5FFFF;
	_ =	strace $0x90000046  }
0xb2: {  	s29 =	simm.s32 $0x9;
	_ =	strace $0x80000048  }
0xb3: {  	_ =	swait.ge [sflag:s29], $0x1  }
0xb4: {  	[sflag:s29] =	ssyncadd.s32 $0xFFFFFFFF  }
0xb5: {  	_ =	strace $0x90000048  }
0xb6: {  	_ =	sfence  }
0xb7: {  	s30 =	sld [smem:$0x0];
	_ =	sdelay $0x2  }
0xb8: {  	s31 =	sshll.u32 s1, $0xD;
	s1 =	sshrl.u32 s1, $0x2  }
0xb9: {  	s3 =	sand.u32 $0x4000, s31;
	s1 =	sadd.s32 s1, s30  }
0xba: {  	s0 =	sor.u32 s3, s0;
	s1 =	sshll.u32 s1, $0x11  }
0xbb: {  	s0 =	sor.u32 s1, s0  }
0xbc: {  	s0 =	sadd.s32 $0x8F2B, s0  }
0xbd: {  	[sflag:s0] =	ssyncadd.remote.s32 $0x1  }
0xbe: {  	_ =	sfence.sel $0xFFFF  }
0xbf: {  	[dreg:$0x0] =	wrdreg $0xFFFFFFFF;
	(pc) =	sbr.abs _section_cstart, $3  }
0xc0: {  	[dreg:$0x1] =	wrdreg $0xFFFFFFFF  }
0xc1: {  	_ =	task.clear_ibuf [dreg:s7], $0x2FFFF;
	_ =	strace $0x9FFFFFFF  }
0xc2: {  	(tm) =	ssettm $0x7FFFFFFF  }
0xc3: {  	_ =	shalt  }
tec
execute0_lowered:
.L_overlay_start_1:
0x0: {  	(tag) =	ssettag $0x1  }
0x1: {  	s1 =	srdreg.scid;
	s2 =	rddreg [dreg:$0x0]  }
0x2: {  	s0 =	stileid.u32;
	s5 =	rddreg [dreg:$0x1];
	s3 =	simm.s32 $0x0  }
0x3: {  	s8 =	simm.s32 $0x80;
	s4 =	sand.u32 $0x1, s1;
	s30 =	sshll.u32 s0, $0x1  }
0x4: {  	s9 =	simm.s32 $0x1;
	s10 =	simm.s32 $0x1400;
	s6 =	sor.u32 s4, s30  }
0x5: {  	s11 =	simm.s32 $0x0;
	s1 =	rddreg [dreg:$0x2];
	s7 =	smul.u32 $0x280, s6  }
0x6: {  	[smem:$0x7FF] =	sst s3;
	s4 =	ssub.s32 $0x2, s4;
	s6 =	smul.u32 $0x2800, s6  }
0x7: {  	_ =	strace $0x80000047;
	s31 =	sshrl.u32 s4, $0x1;
	s7 =	sadd.s32 s7, s5  }
0x8: {  	s5 =	sadd.s32 s6, s5;
	s6 =	ssub.s32 s4, s31;
	s4 =	sadd.s32 $0x1200, s7  }
0x9: {  	s5 =	sadd.s32 $0x6200, s5;
	s6 =	smax.u32 s6, $0x1;
	s7 =	simm.s32 $0x2  }
.LBB2_1:
0xa: {  	[tilespmem:s3], [sflag:$0x2] =	stream.linear.gather [hbm4b:s4+s3], $0x1400, $0x38;
	[tilespmem:$0x15400] =	vst v63  }
0xb: {  	_ =	swait.ge [sflag:s7], $0x1400  }
0xc: {  	[sflag:s7] =	ssyncset.done $0x0  }
0xd: {  	s12 =	simm.s32 $0x1400;
	s13 =	simm.s32 $0x0;
	[sflag:s7] =	ssyncadd.s32 $0xFFFFEC00  }
.LBB2_2:
0xe: {  	p0 =	sne.s32 s13, $0x4E00  }
.Ltmp0:
0xf: {  	_ = 	snop;
	(pc) =	sbr.rel @p0 .LBB2_2-.Ltmp0, $4  }
0x10: {  	_ = 	snop  }
0x11: {  	s14 =	sshra.s32 s13, $0x2  }
0x12: {  	[tilespmem:s12], [sflag:$0x1] =	stream.indirect.gather [hbm4b:s2+s8], $0x10, s14, s8, $0xb8;
	[tilespmem:$0x15400] =	vst v63  }
0x13: {  	s13 =	sadd.s32 $0x200, s13;
	s12 =	sadd.s32 $0x800, s12  }
0x14: {  	_ =	swait.ge [sflag:s9], $0x800  }
0x15: {  	s12 =	simm.s32 $0x27;
	[sflag:s9] =	ssyncset.done $0x0  }
.LBB2_4:
0x16: {  	p0 =	sne.s32 s12, $0x1;
	s12 =	sadd.s32 $0xFFFFFFFF, s12;
	[sflag:s9] =	ssyncadd.s32 $0xFFFFF800  }
.Ltmp1:
0x17: {  	(pc) =	sbr.rel @p0 .LBB2_4-.Ltmp1, $3  }
0x18: {  	_ =	sdelay $0x1  }
0x19: {  	_ =	swait.ge [sflag:s9], $0x800  }
0x1a: {  	[sflag:s9] =	ssyncset.done $0x0  }
0x1b: {  	s11 =	sadd.s32 $0x1, s11  }
0x1c: {  	p0 =	sne.s32 s11, s6  }
.Ltmp2:
0x1d: {  	[sflag:s9] =	ssyncadd.s32 $0xFFFFF800;
	(pc) =	sbr.rel @p0 .LBB2_1-.Ltmp2, $4  }
0x1e: {  	[hbm4b:s5+s3] =	stream.linear.scatter [tilespmem:s10], [sflag:$0x2], $0x14000, $0x38;
	[tilespmem:$0x15400] =	vst v63  }
0x1f: {  	_ =	swait.ge [sflag:s7], $0x14000  }
0x20: {  	[sflag:s7] =	ssyncset.done $0x0  }
0x21: {  	[sflag:s7] =	ssyncadd.s32 $0xFFFEC000  }
0x22: {  	_ =	sfence.sel $0x180000  }
0x23: {  	[bflag:$0x0] =	sbarrier.arrive $0xFFFF  }
0x24: {  	p0 =	sne.s32 s0, $0x0;
	_ =	strace $0x90000047  }
0x25: {  	s0 =	sadd.s32 @!p0 $0x100000, s1;
	[bflag:$0x2] =	sbarrier.arrive $0xFFFF  }
0x26: {  	[sflag:s0] =	ssyncadd.tile.s32 @!p0 $0x1;
	_ =	shalt  }
.Lfunc_end2:
_tile_overlayer_lowered:
.L_overlay_start_2:
0x27: {  	(tag) =	ssettag $0x2  }
0x28: {  	s0 =	rddreg [dreg:$0x0];
	s2 =	stileid.u32  }
0x29: {  	s1 =	rddreg [dreg:$0x1];
	p0 =	sne.s32 s2, $0x0  }
0x2a: {  	s3 =	rddreg [dreg:$0x2];
	[bflag:$0x3] =	sbarrier.arrive $0xFFFF;
	s2 =	simm.s32 @!p0 $0x1C02  }
0x2b: {  	[timem:s3], [sflag:s2] =	dma.local @!p0 [hbm:s0], s1  }
0x2c: {  	s0 =	simm.s32 @!p0 $0x2  }
0x2d: {  	_ =	swait.ge @!p0 [sflag:s0], s1  }
0x2e: {  	s1 =	ssub.s32 @!p0 $0x0, s1;
	[sflag:s0] =	ssyncset.done @!p0 $0x0  }
0x2f: {  	[sflag:s0] =	ssyncadd.s32 @!p0 s1  }
0x30: {  	[bflag:$0x3] =	sbarrier.arrive $0xFFFF  }
0x31: {  	_ =	shalt  }

</sc_bundles>
